<compile_context>
chip_gen: v7x
topology: tpu7x:2x2x1
jax: 0.10.2.dev20260603
libtpu: 0.0.44.dev20260713+nightly
codegen_flags: <defaults>
</compile_context>

<pallas_src>
import functools

import jax
import jax.numpy as jnp
from jax import lax
from jax.experimental import pallas as pl
from jax.experimental.pallas import tpu as pltpu
from jax.experimental.pallas import tpu_sc as plsc

N_NODES = 10000
N_NODES_PAD = 10240
N_EDGES = 320000
D_FEAT = 128

NUM_CORES = 2
NUM_SUBCORES = 16
NUM_WORKERS = NUM_CORES * NUM_SUBCORES
LANES = 16
EDGE_TILES = N_EDGES // 128
TILES_PER_WORKER = -(-EDGE_TILES // NUM_WORKERS)
CHUNKS_PER_TILE = 128 // LANES


def _scores_body(x_ref, w2_ref, b_ref, s_ref, t_ref):
    x = x_ref[...]
    w2 = w2_ref[...]
    st = lax.dot_general(
        w2, x, (((1,), (1,)), ((), ())),
        preferred_element_type=jnp.float32,
    )
    s_ref[pl.ds(0, N_NODES)] = st[0:1, :].reshape(N_NODES) + b_ref[0, 0]
    t_ref[pl.ds(0, N_NODES)] = st[1:2, :].reshape(N_NODES)


def _node_scores(node_features, W, b):
    w2 = W.reshape(2, D_FEAT)
    bb = b.reshape(1, 1)
    return pl.pallas_call(
        _scores_body,
        out_shape=(
            jax.ShapeDtypeStruct((N_NODES_PAD,), jnp.float32),
            jax.ShapeDtypeStruct((N_NODES_PAD,), jnp.float32),
        ),
        in_specs=[
            pl.BlockSpec(memory_space=pltpu.VMEM),
            pl.BlockSpec(memory_space=pltpu.VMEM),
            pl.BlockSpec(memory_space=pltpu.SMEM),
        ],
        out_specs=(
            pl.BlockSpec(memory_space=pltpu.VMEM),
            pl.BlockSpec(memory_space=pltpu.VMEM),
        ),
    )(node_features, w2, bb)


def _edge_body(s_hbm, t_hbm, ei_hbm, out_hbm, s_tab, t_tab, ei_v, out_v, sem):
    wid = lax.axis_index("s") * NUM_CORES + lax.axis_index("c")
    start = jnp.minimum(wid * TILES_PER_WORKER, EDGE_TILES - TILES_PER_WORKER)
    c1 = pltpu.async_copy(ei_hbm.at[pl.ds(start, TILES_PER_WORKER)], ei_v, sem)
    c2 = pltpu.async_copy(s_hbm, s_tab, sem)
    c3 = pltpu.async_copy(t_hbm, t_tab, sem)
    c1.wait()
    c2.wait()
    c3.wait()

    @plsc.parallel_loop(0, TILES_PER_WORKER * CHUNKS_PER_TILE, unroll=8)
    def body(c):
        t = c >> 3
        sl = pl.ds((c & 7) * LANES, LANES)
        si = ei_v[t, 0, sl]
        di = ei_v[t, 1, sl]
        sv = plsc.load_gather(s_tab, [si])
        tv = plsc.load_gather(t_tab, [di])
        z = sv + tv
        out_v[t, sl] = 1.0 / (1.0 + jnp.exp(-z))

    pltpu.sync_copy(out_v, out_hbm.at[pl.ds(start, TILES_PER_WORKER)])


_edge_kernel = functools.partial(
    pl.kernel,
    mesh=plsc.VectorSubcoreMesh(core_axis_name="c", subcore_axis_name="s"),
    out_type=jax.ShapeDtypeStruct((EDGE_TILES, 128), jnp.float32),
    compiler_params=pltpu.CompilerParams(
        needs_layout_passes=False,
        use_tc_tiling_on_sc=False,
        disable_bounds_checks=True,
        disable_semaphore_checks=True,
    ),
    scratch_types=[
        pltpu.VMEM((N_NODES_PAD,), jnp.float32),
        pltpu.VMEM((N_NODES_PAD,), jnp.float32),
        pltpu.VMEM((TILES_PER_WORKER, 2, 128), jnp.int32),
        pltpu.VMEM((TILES_PER_WORKER, 128), jnp.float32),
        pltpu.SemaphoreType.DMA,
    ],
)(_edge_body)


def kernel(node_features, edge_index, W, b):
    s, t = _node_scores(node_features, W, b)
    ei = edge_index.astype(jnp.int32)
    ei3 = ei.reshape(2, EDGE_TILES, 128).transpose(1, 0, 2)
    out = _edge_kernel(s, t, ei3)
    return out.reshape(N_EDGES, 1)

# --- scband reference (transcript-rebuilt; emitter-appended) ---
"""Pipeline reference for scband-edge-weight-network-541165879643 (READ-ONLY COPY).

The authoritative reference and input builder live on the scoring server;
editing this copy changes nothing except your own understanding.
"""

import jax, jax.numpy as jnp
import numpy as np

N_NODES = 10000
N_EDGES = 320000
D_FEAT = 128

def setup_inputs(seed: int = 0) -> dict:
    key = jax.random.key(seed)
    k1, k2, k3, k4 = jax.random.split(key, 4)
    node_features = jax.random.normal(k1, (N_NODES, D_FEAT), dtype=jnp.float32)
    edge_index = jax.random.randint(k2, (2, N_EDGES), 0, N_NODES, dtype=jnp.int64)
    # torch.nn.Linear(2*d, 1): weight [1, 2*d], bias [1]
    bound = 1.0 / np.sqrt(2 * D_FEAT)
    W = jax.random.uniform(k3, (1, 2 * D_FEAT), minval=-bound, maxval=bound, dtype=jnp.float32)
    b = jax.random.uniform(k4, (1,), minval=-bound, maxval=bound, dtype=jnp.float32)
    return {"node_features": node_features, "edge_index": edge_index, "W": W, "b": b}

def reference(node_features, edge_index, W, b):
    source_node_features = jnp.take(node_features, edge_index[0], axis=0)
    target_node_features = jnp.take(node_features, edge_index[1], axis=0)
    edge_features = jnp.concatenate([source_node_features, target_node_features], axis=1)
    logits = edge_features @ W.T + b
    return jax.nn.sigmoid(logits)

if __name__ == "__main__":
    import jax
    _d = setup_inputs()
    print(jax.jit(kernel)(*tuple(_d.values())))

</pallas_src>

<mosaic_0001>
#map = affine_map<(d0, d1) -> (0)>
#map1 = affine_map<(d0, d1) -> (0, 0, 0)>
#map2 = affine_map<(d0, d1) -> (0, 0)>
module attributes {stable_mosaic.version = 14 : i64} {
  func.func @_edge_body(%arg0: i32, %arg1: i32, %arg2: memref<10240xf32, #tpu.memory_space<hbm>>, %arg3: memref<10240xf32, #tpu.memory_space<hbm>>, %arg4: memref<2500x2x128xi32, #tpu.memory_space<hbm>>, %arg5: memref<2500x128xf32, #tpu.memory_space<hbm>>, %arg6: memref<10240xf32, #tpu.memory_space<vmem>>, %arg7: memref<10240xf32, #tpu.memory_space<vmem>>, %arg8: memref<79x2x128xi32, #tpu.memory_space<vmem>>, %arg9: memref<79x128xf32, #tpu.memory_space<vmem>>, %arg10: memref<!tpu.dma_semaphore, #tpu.memory_space<semaphore_mem>>) attributes {dimension_semantics = [#tpu.dimension_semantics<core_parallel>, #tpu.dimension_semantics<subcore_parallel>], iteration_bounds = array<i64: 2, 16>, scalar_prefetch = 0 : i64, scratch_operands = 5 : i64, tpu.core_type = #tpu.core_type<sc_vector_subcore>, window_params = [{transform_indices = #map}, {transform_indices = #map}, {transform_indices = #map1}, {transform_indices = #map2}]} {
    %mul3A = arith.constant 2 : i32
    %mul3A_0 = arith.muli %arg1, %mul3A : i32
    %add3A = arith.addi %mul3A_0, %arg0 : i32
    %mul3A_1 = arith.constant 79 : i32
    %mul3A_2 = arith.muli %add3A, %mul3A_1 : i32
    %min3A = arith.constant 2421 : i32
    %min3A_3 = arith.minsi %mul3A_2, %min3A : i32
    %dma_start3A = arith.constant 0 : i32
    %dma_start3A_4 = arith.constant 0 : i32
    %dma_start3A_5 = tpu.memref_slice %arg4[%min3A_3, %dma_start3A, %dma_start3A_4] : memref<2500x2x128xi32, #tpu.memory_space<hbm>> -> memref<79x2x128xi32, #tpu.memory_space<hbm>>
    %dma_start3A_6 = arith.constant 0 : i32
    %dma_start3A_7 = arith.constant 0 : i32
    %dma_start3A_8 = tpu.memref_slice %arg4[%min3A_3, %dma_start3A_6, %dma_start3A_7] : memref<2500x2x128xi32, #tpu.memory_space<hbm>> -> memref<79x2x128xi32, #tpu.memory_space<hbm>>
    tpu.enqueue_dma source(%dma_start3A_8 : memref<79x2x128xi32, #tpu.memory_space<hbm>>) target(%arg8 : memref<79x2x128xi32, #tpu.memory_space<vmem>>) target_semaphore(%arg10 : memref<!tpu.dma_semaphore, #tpu.memory_space<semaphore_mem>>)
    tpu.enqueue_dma source(%arg2 : memref<10240xf32, #tpu.memory_space<hbm>>) target(%arg6 : memref<10240xf32, #tpu.memory_space<vmem>>) target_semaphore(%arg10 : memref<!tpu.dma_semaphore, #tpu.memory_space<semaphore_mem>>)
    tpu.enqueue_dma source(%arg3 : memref<10240xf32, #tpu.memory_space<hbm>>) target(%arg7 : memref<10240xf32, #tpu.memory_space<vmem>>) target_semaphore(%arg10 : memref<!tpu.dma_semaphore, #tpu.memory_space<semaphore_mem>>)
    %dma_wait3A = arith.constant 0 : i32
    %dma_wait3A_9 = arith.constant 0 : i32
    %dma_wait3A_10 = tpu.memref_slice %arg4[%min3A_3, %dma_wait3A, %dma_wait3A_9] : memref<2500x2x128xi32, #tpu.memory_space<hbm>> -> memref<79x2x128xi32, #tpu.memory_space<hbm>>
    %dma_wait3A_11 = arith.constant 0 : i32
    %dma_wait3A_12 = arith.constant 0 : i32
    %dma_wait3A_13 = tpu.memref_slice %arg4[%min3A_3, %dma_wait3A_11, %dma_wait3A_12] : memref<2500x2x128xi32, #tpu.memory_space<hbm>> -> memref<79x2x128xi32, #tpu.memory_space<hbm>>
    tpu.wait_dma2 semaphore(%arg10 : memref<!tpu.dma_semaphore, #tpu.memory_space<semaphore_mem>>) src(%dma_wait3A_13 : memref<79x2x128xi32, #tpu.memory_space<hbm>>) dst(%arg8 : memref<79x2x128xi32, #tpu.memory_space<vmem>>)
    tpu.wait_dma2 semaphore(%arg10 : memref<!tpu.dma_semaphore, #tpu.memory_space<semaphore_mem>>) src(%arg2 : memref<10240xf32, #tpu.memory_space<hbm>>) dst(%arg6 : memref<10240xf32, #tpu.memory_space<vmem>>)
    tpu.wait_dma2 semaphore(%arg10 : memref<!tpu.dma_semaphore, #tpu.memory_space<semaphore_mem>>) src(%arg3 : memref<10240xf32, #tpu.memory_space<hbm>>) dst(%arg7 : memref<10240xf32, #tpu.memory_space<vmem>>)
    %parallel_loop3A = arith.constant 0 : i32
    %parallel_loop3A_14 = arith.constant 632 : i32
    %parallel_loop3A_15 = arith.constant 1 : i32
    scf.for %parallel_loop3A_16 = %parallel_loop3A to %parallel_loop3A_14 step %parallel_loop3A_15  : i32 {
      %parallel_loop3A_17 = arith.constant 3 : i32
      %parallel_loop3A_18 = arith.shrsi %parallel_loop3A_16, %parallel_loop3A_17 : i32
      %parallel_loop3A_19 = arith.constant 7 : i32
      %parallel_loop3A_20 = arith.andi %parallel_loop3A_16, %parallel_loop3A_19 : i32
      %parallel_loop3A_21 = arith.constant 16 : i32
      %parallel_loop3A_22 = arith.muli %parallel_loop3A_20, %parallel_loop3A_21 : i32
      %parallel_loop3A_23 = arith.constant 0 : i32
      %parallel_loop3A_24 = arith.index_cast %parallel_loop3A_18 : i32 to index
      %parallel_loop3A_25 = arith.index_cast %parallel_loop3A_23 : i32 to index
      %parallel_loop3A_26 = arith.index_cast %parallel_loop3A_22 : i32 to index
      %parallel_loop3A_27 = tpu.vector_load %arg8[%parallel_loop3A_24, %parallel_loop3A_25, %parallel_loop3A_26] {strides = array<i32>} : memref<79x2x128xi32, #tpu.memory_space<vmem>>, vector<16xi32>,
      %parallel_loop3A_28 = arith.constant 1 : i32
      %parallel_loop3A_29 = arith.index_cast %parallel_loop3A_18 : i32 to index
      %parallel_loop3A_30 = arith.index_cast %parallel_loop3A_28 : i32 to index
      %parallel_loop3A_31 = arith.index_cast %parallel_loop3A_22 : i32 to index
      %parallel_loop3A_32 = tpu.vector_load %arg8[%parallel_loop3A_29, %parallel_loop3A_30, %parallel_loop3A_31] {strides = array<i32>} : memref<79x2x128xi32, #tpu.memory_space<vmem>>, vector<16xi32>,
      %parallel_loop3A_33 = tpu.vector_load_idx %arg6[%parallel_loop3A_27] : memref<10240xf32, #tpu.memory_space<vmem>>[vector<16xi32>], vector<16xf32>,
      %parallel_loop3A_34 = tpu.vector_load_idx %arg7[%parallel_loop3A_32] : memref<10240xf32, #tpu.memory_space<vmem>>[vector<16xi32>], vector<16xf32>,
      %parallel_loop3A_35 = arith.addf %parallel_loop3A_33, %parallel_loop3A_34 : vector<16xf32>
      %parallel_loop3A_36 = arith.constant 0.000000e+00 : f32
      %parallel_loop3A_37 = vector.broadcast %parallel_loop3A_36 : f32 to vector<16xf32>
      %parallel_loop3A_38 = arith.subf %parallel_loop3A_37, %parallel_loop3A_35 : vector<16xf32>
      %parallel_loop3A_39 = math.exp %parallel_loop3A_38 : vector<16xf32>
      %parallel_loop3A_40 = arith.constant 1.000000e+00 : f32
      %parallel_loop3A_41 = vector.broadcast %parallel_loop3A_40 : f32 to vector<16xf32>
      %parallel_loop3A_42 = arith.addf %parallel_loop3A_41, %parallel_loop3A_39 : vector<16xf32>
      %parallel_loop3A_43 = arith.constant 1.000000e+00 : f32
      %parallel_loop3A_44 = vector.broadcast %parallel_loop3A_43 : f32 to vector<16xf32>
      %parallel_loop3A_45 = arith.divf %parallel_loop3A_44, %parallel_loop3A_42 : vector<16xf32>
      %parallel_loop3A_46 = arith.index_cast %parallel_loop3A_18 : i32 to index
      %parallel_loop3A_47 = arith.index_cast %parallel_loop3A_22 : i32 to index
      %parallel_loop3A_48 = tpu.vector_load %arg9[%parallel_loop3A_46, %parallel_loop3A_47] {strides = array<i32>} : memref<79x128xf32, #tpu.memory_space<vmem>>, vector<16xf32>,
      tpu.vector_store %arg9[%parallel_loop3A_46, %parallel_loop3A_47], %parallel_loop3A_45 {strides = array<i32>} : memref<79x128xf32, #tpu.memory_space<vmem>>, vector<16xf32>,
    } {sc.loop_unroll_factor = 8 : i64, sc.parallel_access}
    "tpu.region"() ({
      %run_scoped3A = tpu.sem_alloc : memref<!tpu.dma_semaphore, #tpu.memory_space<semaphore_mem>>
      %dma_start3A_16 = arith.constant 0 : i32
      %dma_start3A_17 = tpu.memref_slice %arg5[%min3A_3, %dma_start3A_16] : memref<2500x128xf32, #tpu.memory_space<hbm>> -> memref<79x128xf32, #tpu.memory_space<hbm>>
      %dma_start3A_18 = arith.constant 0 : i32
      %dma_start3A_19 = tpu.memref_slice %arg5[%min3A_3, %dma_start3A_18] : memref<2500x128xf32, #tpu.memory_space<hbm>> -> memref<79x128xf32, #tpu.memory_space<hbm>>
      tpu.enqueue_dma source(%arg9 : memref<79x128xf32, #tpu.memory_space<vmem>>) target(%dma_start3A_19 : memref<79x128xf32, #tpu.memory_space<hbm>>) target_semaphore(%run_scoped3A : memref<!tpu.dma_semaphore, #tpu.memory_space<semaphore_mem>>)
      %dma_wait3A_20 = arith.constant 0 : i32
      %dma_wait3A_21 = tpu.memref_slice %arg5[%min3A_3, %dma_wait3A_20] : memref<2500x128xf32, #tpu.memory_space<hbm>> -> memref<79x128xf32, #tpu.memory_space<hbm>>
      %dma_wait3A_22 = arith.constant 0 : i32
      %dma_wait3A_23 = tpu.memref_slice %arg5[%min3A_3, %dma_wait3A_22] : memref<2500x128xf32, #tpu.memory_space<hbm>> -> memref<79x128xf32, #tpu.memory_space<hbm>>
      tpu.wait_dma2 semaphore(%run_scoped3A : memref<!tpu.dma_semaphore, #tpu.memory_space<semaphore_mem>>) src(%arg9 : memref<79x128xf32, #tpu.memory_space<vmem>>) dst(%dma_wait3A_23 : memref<79x128xf32, #tpu.memory_space<hbm>>)
      tpu.yield
    }) : () -> ()
    return
  }
}

module attributes {stable_mosaic.version = 14 : i64} {
  func.func @_scores_body(%arg0: memref<10000x128xf32, #tpu.memory_space<vmem>>, %arg1: memref<2x128xf32, #tpu.memory_space<vmem>>, %arg2: memref<1x1xf32, #tpu.memory_space<smem>>, %arg3: memref<10240xf32, #tpu.memory_space<vmem>>, %arg4: memref<10240xf32, #tpu.memory_space<vmem>>) attributes {dimension_semantics = [], scalar_prefetch = 0 : i64, scratch_operands = 0 : i64, tpu.core_type = #tpu.core_type<tc>} {
    %get3A = arith.constant 0 : index
    %get3A_0 = arith.constant 0 : index
    %get3A_1 = vector.load %arg0[%get3A, %get3A_0] : memref<10000x128xf32, #tpu.memory_space<vmem>>, vector<10000x128xf32>
    %get3A_2 = arith.constant 0 : index
    %get3A_3 = arith.constant 0 : index
    %get3A_4 = vector.load %arg1[%get3A_2, %get3A_3] : memref<2x128xf32, #tpu.memory_space<vmem>>, vector<2x128xf32>
    %dot_general3A = arith.constant dense<0.000000e+00> : vector<2x10000xf32>
    %dot_general3A_5 = tpu.matmul %get3A_4, %get3A_1, %dot_general3A {dimension_numbers = #tpu.dot_dimension_numbers<[1], [1], [0], [0], [0, 0, 1, 0], [], []>, transpose_lhs_hint = false} : vector<2x128xf32>, vector<10000x128xf32>, vector<2x10000xf32> -> vector<2x10000xf32>
    %slice3A = vector.extract_strided_slice %dot_general3A_5 {offsets = [0, 0], sizes = [1, 10000], strides = [1, 1]} : vector<2x10000xf32> to vector<1x10000xf32>
    %reshape3A = vector.shape_cast %slice3A : vector<1x10000xf32> to vector<10000xf32>
    %get3A_6 = arith.constant 0 : index
    %get3A_7 = arith.constant 0 : index
    %get3A_8 = memref.load %arg2[%get3A_6, %get3A_7] : memref<1x1xf32, #tpu.memory_space<smem>>
    %add3A = vector.broadcast %get3A_8 : f32 to vector<10000xf32>
    %add3A_9 = arith.addf %reshape3A, %add3A : vector<10000xf32>
    %swap3A = arith.constant 0 : index
    %swap3A_10 = vector.load %arg3[%swap3A] : memref<10240xf32, #tpu.memory_space<vmem>>, vector<10000xf32>
    tpu.vector_store %arg3[%swap3A], %add3A_9 {strides = array<i32>} : memref<10240xf32, #tpu.memory_space<vmem>>, vector<10000xf32>,
    %slice3A_11 = vector.extract_strided_slice %dot_general3A_5 {offsets = [1, 0], sizes = [1, 10000], strides = [1, 1]} : vector<2x10000xf32> to vector<1x10000xf32>
    %reshape3A_12 = vector.shape_cast %slice3A_11 : vector<1x10000xf32> to vector<10000xf32>
    %swap3A_13 = arith.constant 0 : index
    %swap3A_14 = vector.load %arg4[%swap3A_13] : memref<10240xf32, #tpu.memory_space<vmem>>, vector<10000xf32>
    tpu.vector_store %arg4[%swap3A_13], %reshape3A_12 {strides = array<i32>} : memref<10240xf32, #tpu.memory_space<vmem>>, vector<10000xf32>,
    return
  }
}

</mosaic_0001>

<sc_bundles>
// kernel: kernel.4.cloned.1.call-start
scs
__scs_entry_jumppad:
0x0: {  	(pc) =	sbr.rel $0x88, $3  }
0x1: {  	(tag) =	ssettag $0x0;
	lr =	simm.s32 $0x1  }
0x2: {  	[smem:$0x3F9D] =	sst lr;
	_ =	strace $0xD0000000  }
0x3: {  	_ = 	snop  }
0x4: {  	_ = 	snop  }
0x5: {  	_ = 	snop  }
0x6: {  	_ = 	snop  }
0x7: {  	_ = 	snop  }
__scs_overlays_trampoline_lowered:
0x8: {  	[smem:$0x3FAC] =	sst s0  }
0x9: {  	[smem:$0x3FAD] =	sst s1  }
0xa: {  	[smem:$0x3FAE] =	sst s2  }
0xb: {  	[smem:$0x3FAF] =	sst s3  }
0xc: {  	[smem:$0x3FB0] =	sst s4  }
0xd: {  	[smem:$0x3FB1] =	sst s5  }
0xe: {  	[smem:$0x3FB2] =	sst s6  }
0xf: {  	[smem:$0x3FB3] =	sst s7  }
0x10: {  	[smem:$0x3FB4] =	sst s8  }
0x11: {  	[smem:$0x3FB5] =	sst s9;
	s0 =	simm.s32 @!p0 $0x0  }
0x12: {  	s1 =	sld [smem:$0x3F9B];
	s0 =	simm.s32 @p0 $0x1  }
0x13: {  	[smem:$0x3FB6] =	sst s0;
	s0 =	simm.s32 @!p1 $0x0  }
0x14: {  	s2 =	sld [smem:$0x3F9A];
	s0 =	simm.s32 @p1 $0x1  }
0x15: {  	[smem:$0x3FB7] =	sst s0;
	s0 =	simm.s32 @!p2 $0x0  }
0x16: {  	s3 =	sld [smem:$0x3FDB];
	s0 =	simm.s32 @p2 $0x1  }
0x17: {  	s4 =	simm.s32 $0x1BF5;
	[smem:$0x3FB9] =	sst s0  }
0x18: {  	s0 =	sld [smem:$0x3F9C];
	_ =	swait.ge [sflag:s4], $0x0  }
0x19: {  	s7 =	sld [smem:$0x3F9D]  }
0x1a: {  	s8 =	sadd.s32 $0xFFFFE003, lr  }
0x1b: {  	s9 =	sadd.s32 $0xFFFFFEF7, lr;
	s5 =	simm.s32 $0xFFFFFFFF;
	p2 =	slt.u32 s8, $0xFFFFF086  }
0x1c: {  	p1 =	slt.u32 s9, $0xF7A;
	s5 =	simm.s32 @!p2 $0x0  }
0x1d: {  	s5 =	simm.s32 @p1 $0x1;
	p0 =	seq.s32 s7, s2  }
0x1e: {  	s7 =	smul.u32 @!p0 $0xF7A, s2;
	p2 =	seq.s32 @!p0 s5, $0x0  }
0x1f: {  	s9 =	smul.u32 $0xF7A, s1;
	s8 =	simm.s32 @!p0 $0x1BF5;
	p2 =	por !p2, p0  }
0x20: {  	[sflag:s8] =	ssyncset.s32 @!p0 $0xFFFFF086;
	s6 =	sadd.s32 @!p0 s3, s7;
	s7 =	simm.s32 @!p0 $0x108  }
0x21: {  	s3 =	sadd.s32 s3, s9;
	s6 =	sadd.s32 @!p0 $0x88, s6;
	s7 =	simm.s32 @p2 $0x1082  }
0x22: {  	[simem:s7], [sflag:s8] =	dma.local @!p0 [hbm:s6], $0xF7A  }
0x23: {  	s9 =	sor.u32 $0xD0000000, s2;
	s6 =	simm.s32 $0x108;
	_ =	swait.ge @!p0 [sflag:s8], $0x0  }
0x24: {  	s3 =	sadd.s32 $0x88, s3;
	s6 =	simm.s32 @!p1 $0x1082;
	[sflag:s4] =	ssyncset.s32 $0xFFFFF086  }
0x25: {  	[simem:s6], [sflag:s4] =	dma.local [hbm:s3], $0xF7A  }
0x26: {  	[smem:$0x3F9D] =	sst s1;
	(tag) =	ssettag s2;
	_ =	strace s9  }
0x27: {  	s1 =	sld [smem:$0x3FAD]  }
0x28: {  	s2 =	sld [smem:$0x3FAE]  }
0x29: {  	s4 =	sld [smem:$0x3FB0]  }
0x2a: {  	p0 =	seq.s32 s5, $0x0;
	s5 =	sld [smem:$0x3FB1]  }
0x2b: {  	s6 =	sld [smem:$0x3FB2]  }
0x2c: {  	s7 =	sld [smem:$0x3FB3]  }
0x2d: {  	s3 =	simm.s32 $0x108;
	s8 =	sld [smem:$0x3FB4]  }
0x2e: {  	s3 =	simm.s32 @!p0 $0x1082;
	s9 =	sld [smem:$0x3FB5]  }
0x2f: {  	lr =	sadd.s32 s0, s3;
	s0 =	sld [smem:$0x3FAC]  }
0x30: {  	s3 =	sld [smem:$0x3FAF]  }
0x31: {  	[smem:$0x3FB8] =	sst s10  }
0x32: {  	s10 =	sld [smem:$0x3FB6];
	_ =	sdelay $0x3  }
0x33: {  	p0 =	seq.s32 s10, $0x1;
	s10 =	sld [smem:$0x3FB8];
	_ =	sdelay $0x3  }
0x34: {  	[smem:$0x3FB8] =	sst s10  }
0x35: {  	s10 =	sld [smem:$0x3FB7];
	_ =	sdelay $0x3  }
0x36: {  	p1 =	seq.s32 s10, $0x1;
	s10 =	sld [smem:$0x3FB8];
	_ =	sdelay $0x3  }
0x37: {  	[smem:$0x3FB8] =	sst s10  }
0x38: {  	s10 =	sld [smem:$0x3FB9]  }
0x39: {  	_ = 	snop;
	(pc) =	sbr.ind lr, $3  }
0x3a: {  	_ = 	snop  }
0x3b: {  	_ = 	snop  }
0x3c: {  	p2 =	seq.s32 s10, $0x1;
	s10 =	sld [smem:$0x3FB8]  }
0x3d: {  	_ =	shalt  }
0x3e: {  	_ =	shalt  }
0x3f: {  	_ =	shalt  }
0x40: {  	_ =	shalt  }
0x41: {  	_ =	shalt  }
0x42: {  	_ =	shalt  }
0x43: {  	_ =	shalt  }
0x44: {  	_ =	shalt  }
0x45: {  	_ =	shalt  }
0x46: {  	_ =	shalt  }
0x47: {  	_ =	shalt  }
0x48: {  	_ =	shalt  }
0x49: {  	_ =	shalt  }
0x4a: {  	_ =	shalt  }
0x4b: {  	_ =	shalt  }
0x4c: {  	_ =	shalt  }
0x4d: {  	_ =	shalt  }
0x4e: {  	_ =	shalt  }
0x4f: {  	_ =	shalt  }
0x50: {  	_ =	shalt  }
0x51: {  	_ =	shalt  }
0x52: {  	_ =	shalt  }
0x53: {  	_ =	shalt  }
0x54: {  	_ =	shalt  }
0x55: {  	_ =	shalt  }
0x56: {  	_ =	shalt  }
0x57: {  	_ =	shalt  }
0x58: {  	_ =	shalt  }
0x59: {  	_ =	shalt  }
0x5a: {  	_ =	shalt  }
0x5b: {  	_ =	shalt  }
0x5c: {  	_ =	shalt  }
0x5d: {  	_ =	shalt  }
0x5e: {  	_ =	shalt  }
0x5f: {  	_ =	shalt  }
0x60: {  	_ =	shalt  }
0x61: {  	_ =	shalt  }
0x62: {  	_ =	shalt  }
0x63: {  	_ =	shalt  }
0x64: {  	_ =	shalt  }
0x65: {  	_ =	shalt  }
0x66: {  	_ =	shalt  }
0x67: {  	_ =	shalt  }
0x68: {  	_ =	shalt  }
0x69: {  	_ =	shalt  }
0x6a: {  	_ =	shalt  }
0x6b: {  	_ =	shalt  }
0x6c: {  	_ =	shalt  }
0x6d: {  	_ =	shalt  }
0x6e: {  	_ =	shalt  }
0x6f: {  	_ =	shalt  }
0x70: {  	_ =	shalt  }
0x71: {  	_ =	shalt  }
0x72: {  	_ =	shalt  }
0x73: {  	_ =	shalt  }
0x74: {  	_ =	shalt  }
0x75: {  	_ =	shalt  }
0x76: {  	_ =	shalt  }
0x77: {  	_ =	shalt  }
0x78: {  	_ =	shalt  }
0x79: {  	_ =	shalt  }
0x7a: {  	_ =	shalt  }
0x7b: {  	_ =	shalt  }
0x7c: {  	_ =	shalt  }
0x7d: {  	_ =	shalt  }
0x7e: {  	_ =	shalt  }
0x7f: {  	_ =	shalt  }
0x80: {  	_ =	shalt  }
0x81: {  	_ =	shalt  }
0x82: {  	_ =	shalt  }
0x83: {  	_ =	shalt  }
0x84: {  	_ =	shalt  }
0x85: {  	_ =	shalt  }
0x86: {  	_ =	shalt  }
0x87: {  	_ =	shalt  }
.Lfunc_end0:
.L_simem_size_0:
called_computation_lowered:
.L_overlay_start_0:
0x88: {  	s2 =	sld [smem:$0x3FD9]  }
0x89: {  	s3 =	sld [smem:$0x3FFE];
	_ =	sdelay $0x1  }
0x8a: {  	s1 =	srdreg.scid  }
0x8b: {  	s0 =	sand.u32 $0x1, s1  }
0x8c: {  	s17 =	sshll.u32 s0, $0xA;
	s2 =	sadd.s32 s3, s2  }
0x8d: {  	s2 =	sadd.s32 s2, s17  }
0x8e: {  	[smem:$0x3FC4] =	sst s2  }
0x8f: {  	_ = 	snop  }
0x90: {  	s2 =	sld [smem:$0x3FC8]  }
0x91: {  	s18 =	sld [smem:$0x3FD0];
	(tm) =	ssettm $0x1  }
0x92: {  	s4 =	sld [smem:$0x3FFB];
	_ =	sdelay $0x3  }
0x93: {  	_ =	strace s4  }
0x94: {  	s4 =	sld [smem:$0x3FFC];
	_ =	sdelay $0x3  }
0x95: {  	_ =	strace s4  }
0x96: {  	s4 =	sld [smem:$0x3FFD];
	_ =	sdelay $0x3  }
0x97: {  	_ =	strace s4  }
0x98: {  	_ =	strace $0x8FFFFFFF  }
0x99: {  	s19 =	sld [smem:$0x3FDB];
	_ =	sdelay $0x1  }
0x9a: {  	s5 =	simm.s32 $_scs_section_size  }
0x9b: {  	s6 =	simm.s32 $_size__tile_overlayer_lowered;
	s7 =	simm.s32 $_tile_overlayer_lowered  }
0x9c: {  	s22 =	simm.s32 $0x1BFF;
	s21 =	sshll.u32 s7, $0x1;
	s4 =	sadd.s32 s5, s19  }
0x9d: {  	s8 =	simm.s32 $0x0;
	s20 =	sshll.u32 s6, $0x1;
	s6 =	sadd.s32 s21, s4  }
0x9e: {  	[timem:s8], [sflag:s22] =	dma.local [hbm:s6], s20  }
0x9f: {  	_ =	swait.ge [sflag:s22], s20  }
0xa0: {  	s5 =	ssub.s32 $0x0, s20;
	[sflag:s22] =	ssyncset.done $0x0  }
0xa1: {  	[sflag:s22] =	ssyncadd.s32 s5;
	_ =	sdelay $0x1  }
0xa2: {  	s23 =	simm.s32 $0x1B8B  }
0xa3: {  	_ =	swait.ge [sflag:s23], $0x1  }
0xa4: {  	[sflag:s23] =	ssyncset.done $0x0  }
0xa5: {  	s25 =	simm.s32 $0x1B8E;
	s24 =	sld [smem:$0x3FFE];
	[sflag:s23] =	ssyncadd.s32 $0xFFFFFFFF  }
0xa6: {  	s26 =	simm.s32 $execute0_lowered;
	[smem:$0x3FD2] =	sst s25  }
0xa7: {  	s6 =	sshll.u32 s26, $0x1;
	_ =	strace $0x80000046;
	[dreg:$0x1] =	wrdreg $0xFFFFFFFF  }
0xa8: {  	s28 =	simm.s32 $_size_execute0_lowered;
	s4 =	sadd.s32 s4, s6;
	[dreg:$0x0] =	wrdreg $0x0  }
0xa9: {  	s6 =	sshll.u32 s28, $0x1;
	[dreg:$0x2] =	wrdreg s4  }
0xaa: {  	[dreg:$0x3] =	wrdreg s6  }
0xab: {  	[dreg:$0x4] =	wrdreg $0xC0  }
0xac: {  	_ =	task [dreg:s8], $0x5FFFF  }
0xad: {  	[dreg:$0x1] =	wrdreg $0xFFFFFFFF  }
0xae: {  	[dreg:$0x0] =	wrdreg $0x60  }
0xaf: {  	[dreg:$0x2] =	wrdreg s18  }
0xb0: {  	[dreg:$0x3] =	wrdreg s24  }
0xb1: {  	[dreg:$0x4] =	wrdreg s2  }
0xb2: {  	[dreg:$0x5] =	wrdreg $0x9  }
0xb3: {  	_ =	task.clear_ibuf [dreg:s8], $0x6FFFF;
	_ =	strace $0x90000046  }
0xb4: {  	s29 =	simm.s32 $0x9;
	_ =	strace $0x80000048  }
0xb5: {  	_ =	swait.ge [sflag:s29], $0x1  }
0xb6: {  	[sflag:s29] =	ssyncadd.s32 $0xFFFFFFFF  }
0xb7: {  	_ =	strace $0x90000048  }
0xb8: {  	_ =	sfence  }
0xb9: {  	s30 =	sld [smem:$0x0];
	_ =	sdelay $0x2  }
0xba: {  	s31 =	sshll.u32 s1, $0xD;
	s1 =	sshrl.u32 s1, $0x2  }
0xbb: {  	s3 =	sand.u32 $0x4000, s31;
	s1 =	sadd.s32 s1, s30  }
0xbc: {  	s0 =	sor.u32 s3, s0;
	s1 =	sshll.u32 s1, $0x11  }
0xbd: {  	s0 =	sor.u32 s1, s0  }
0xbe: {  	s0 =	sadd.s32 $0x8F2B, s0  }
0xbf: {  	[sflag:s0] =	ssyncadd.remote.s32 $0x1  }
0xc0: {  	_ =	sfence.sel $0xFFFF  }
0xc1: {  	[dreg:$0x0] =	wrdreg $0xFFFFFFFF;
	(pc) =	sbr.abs _section_cstart, $3  }
0xc2: {  	[dreg:$0x1] =	wrdreg $0xFFFFFFFF  }
0xc3: {  	_ =	task.clear_ibuf [dreg:s8], $0x2FFFF;
	_ =	strace $0x9FFFFFFF  }
0xc4: {  	(tm) =	ssettm $0x7FFFFFFF  }
0xc5: {  	_ =	shalt  }
tec
execute0_lowered:
.L_overlay_start_1:
0x0: {  	(tag) =	ssettag $0x1  }
0x1: {  	s1 =	rddreg [dreg:$0x0]  }
0x2: {  	s2 =	srdreg.scid;
	s5 =	rddreg [dreg:$0x1]  }
0x3: {  	s0 =	stileid.u32;
	s6 =	rddreg [dreg:$0x2];
	s3 =	simm.s32 $0x0  }
0x4: {  	s11 =	simm.s32 $0x9F00;
	s4 =	sand.u32 $0x1, s2;
	s30 =	sshll.u32 s0, $0x1  }
0x5: {  	s12 =	simm.s32 $0x2;
	s13 =	simm.s32 $0x0;
	s7 =	sor.u32 s4, s30  }
0x6: {  	[smem:$0x7FF] =	sst s3;
	s8 =	ssub.s32 $0x2, s4;
	s7 =	smul.u32 $0x4F, s7  }
0x7: {  	s2 =	rddreg [dreg:$0x3];
	_ =	strace $0x80000047;
	s10 =	sshrl.u32 s8, $0x1  }
0x8: {  	s4 =	sadd.s32 $0xE00, s5;
	s8 =	ssub.s32 s8, s10;
	s7 =	smin.u32 s7, $0x975  }
0x9: {  	s10 =	simm.s32 $0x1;
	s9 =	sshll.u32 s7, $0x4;
	s31 =	sshll.u32 s7, $0x5  }
0xa: {  	s7 =	smax.u32 s8, $0x1;
	s8 =	simm.s32 $0x5000;
	s9 =	sadd.s32 s9, s5  }
0xb: {  	s5 =	sadd.s32 s6, s31;
	s6 =	sadd.s32 $0x1400, s9;
	s9 =	simm.s32 $0x2800  }
.LBB2_1:
0xc: {  	[tilespmem:s8], [sflag:$0x1] =	stream.linear.gather [hbm4b:s5+s3], $0x4F00, $0x38;
	[tilespmem:$0xC680] =	vst v63  }
0xd: {  	_ = 	snop  }
0xe: {  	[tilespmem:s3], [sflag:$0x1] =	stream.linear.gather [hbm4b:s1+s3], $0x2800, $0x38;
	[tilespmem:$0xC680] =	vst v63  }
0xf: {  	_ = 	snop  }
0x10: {  	[tilespmem:s9], [sflag:$0x1] =	stream.linear.gather [hbm4b:s4+s3], $0x2800, $0x38;
	[tilespmem:$0xC680] =	vst v63  }
0x11: {  	_ =	swait.ge [sflag:s10], $0x4F00  }
0x12: {  	[sflag:s10] =	ssyncset.done $0x0  }
0x13: {  	[sflag:s10] =	ssyncadd.s32 $0xFFFFB100  }
0x14: {  	_ =	swait.ge [sflag:s10], $0x2800  }
0x15: {  	[sflag:s10] =	ssyncset.done $0x0  }
0x16: {  	[sflag:s10] =	ssyncadd.s32 $0xFFFFD800  }
0x17: {  	_ =	swait.ge [sflag:s10], $0x2800  }
0x18: {  	[sflag:s10] =	ssyncset.done $0x0  }
0x19: {  	s14 =	simm.s32 $0x5080;
	[sflag:s10] =	ssyncadd.s32 $0xFFFFD800  }
0x1a: {  	v0 =	vld [tilespmem:s14+$0xFFFFFFF0]  }
0x1b: {  	v1 =	vld [tilespmem:s14+$0x70]  }
0x1c: {  	v2 =	vld [tilespmem:s14+$0x0]  }
0x1d: {  	v3 =	vld [tilespmem:s14+$0xFFFFFF90]  }
0x1e: {  	v4 =	vld [tilespmem:s14+$0x10]  }
0x1f: {  	v5 =	vld [tilespmem:s14+$0xFFFFFFA0]  }
0x20: {  	v6 =	vld [tilespmem:s14+$0x20]  }
0x21: {  	v7 =	vld [tilespmem:s14+$0xFFFFFFB0]  }
0x22: {  	v8 =	vld [tilespmem:s14+$0x30]  }
0x23: {  	v0 =	vld.idx.msk [tilespmem:v0+s3+$0x0], $0xffff  }
0x24: {  	v1 =	vld.idx.msk [tilespmem:v1+s9+$0x0], $0xffff  }
0x25: {  	v9 =	vld [tilespmem:s14+$0xFFFFFFC0]  }
0x26: {  	v10 =	vld [tilespmem:s14+$0x40]  }
0x27: {  	v11 =	vld [tilespmem:s14+$0xFFFFFFD0]  }
0x28: {  	v12 =	vld [tilespmem:s14+$0x50]  }
0x29: {  	v13 =	vld [tilespmem:s14+$0xFFFFFFE0];
	v0 =	vadd.f32 v1, v0  }
0x2a: {  	v14 =	vld [tilespmem:s14+$0x60]  }
0x2b: {  	v1 =	vld [tilespmem:s14+$0xFFFFFF80];
	v0 =	vsub.f32 $0.0e+00, v0  }
0x2c: {  	v2 =	vld.idx.msk [tilespmem:v2+s9+$0x0], $0xffff  }
0x2d: {  	v3 =	vld.idx.msk [tilespmem:v3+s3+$0x0], $0xffff;
	v0 =	vmul.f32 $1.442695020e+00, v0  }
0x2e: {  	v4 =	vld.idx.msk [tilespmem:v4+s9+$0x0], $0xffff  }
0x2f: {  	v5 =	vld.idx.msk [tilespmem:v5+s3+$0x0], $0xffff;
	(erf) = vpow2.f32 v0  }
0x30: {  	v6 =	vld.idx.msk [tilespmem:v6+s9+$0x0], $0xffff  }
0x31: {  	v0 =	vld.idx.msk [tilespmem:v7+s3+$0x0], $0xffff  }
0x32: {  	v7 =	vld.idx.msk [tilespmem:v8+s9+$0x0], $0xffff  }
0x33: {  	s31 =	simm.s32 $0x5180;
	v3 =	vadd.f32 v4, v3;
	v1 =	vld.idx.msk [tilespmem:v1+s3+$0x0], $0xffff  }
0x34: {  	v54 =	vld [tilespmem:s31+$0xFFFFFFF0]  }
0x35: {  	v3 =	vsub.f32 $0.0e+00, v3;
	v8 =	vld.idx.msk [tilespmem:v9+s3+$0x0], $0xffff  }
0x36: {  	v5 =	vadd.f32 v6, v5;
	v9 =	vld.idx.msk [tilespmem:v10+s9+$0x0], $0xffff  }
0x37: {  	v4 =	vld.idx.msk [tilespmem:v11+s3+$0x0], $0xffff;
	v3 =	vmul.f32 $1.442695020e+00, v3;
	v0 =	vadd.f32 v7, v0  }
0x38: {  	v5 =	vsub.f32 $0.0e+00, v5;
	v10 =	vld.idx.msk [tilespmem:v12+s9+$0x0], $0xffff;
	v1 =	vadd.f32 v2, v1;
	v7 =	vpop (erf)  }
0x39: {  	v6 =	vld.idx.msk [tilespmem:v13+s3+$0x0], $0xffff;
	(erf) = vpow2.f32 v3;
	v0 =	vsub.f32 $0.0e+00, v0;
	v2 =	vadd.f32 $1.000000000e+00, v7  }
0x3a: {  	v11 =	vld.idx.msk [tilespmem:v14+s9+$0x0], $0xffff;
	v5 =	vmul.f32 $1.442695020e+00, v5;
	v1 =	vsub.f32 $0.0e+00, v1  }
0x3b: {  	v3 =	vadd.f32 v9, v8;
	v0 =	vmul.f32 $1.442695020e+00, v0;
	v7 =	vld [tilespmem:s31+$0x70];
	(erf) = vrcp.f32 v2  }
0x3c: {  	v1 =	vmul.f32 $1.442695020e+00, v1;
	(erf) = vpow2.f32 v5  }
0x3d: {  	v55 =	vld [tilespmem:s31+$0x40];
	v4 =	vadd.f32 v10, v4;
	v3 =	vsub.f32 $0.0e+00, v3;
	(erf) = vpow2.f32 v0  }
0x3e: {  	v57 =	vld [tilespmem:s31+$0xFFFFFFD0];
	(erf) = vpow2.f32 v1  }
0x3f: {  	v16 =	vld [tilespmem:s31+$0x50];
	v0 =	vmul.f32 $1.442695020e+00, v3;
	v3 =	vsub.f32 $0.0e+00, v4  }
0x40: {  	v17 =	vld [tilespmem:s31+$0xFFFFFFE0];
	v6 =	vadd.f32 v11, v6  }
0x41: {  	v18 =	vld [tilespmem:s31+$0xFFFFFF80];
	v3 =	vmul.f32 $1.442695020e+00, v3;
	(erf) = vpow2.f32 v0  }
0x42: {  	v6 =	vsub.f32 $0.0e+00, v6;
	v11 =	vpop (erf);
	v0 =	vld.idx.msk [tilespmem:v54+s3+$0x0], $0xffff  }
0x43: {  	v11 =	vadd.f32 $1.000000000e+00, v11;
	v7 =	vld.idx.msk [tilespmem:v7+s9+$0x0], $0xffff;
	(erf) = vpow2.f32 v3  }
0x44: {  	v6 =	vmul.f32 $1.442695020e+00, v6;
	v2 =	vld [tilespmem:s31+$0xFFFFFF90];
	v56 =	vpop (erf)  }
0x45: {  	v5 =	vld [tilespmem:s31+$0xFFFFFFA0];
	v15 =	vpop (erf)  }
0x46: {  	v9 =	vld [tilespmem:s31+$0x10];
	(erf) = vpow2.f32 v6;
	v6 =	vadd.f32 $1.000000000e+00, v15;
	v58 =	vpop (erf)  }
0x47: {  	v1 =	vld [tilespmem:s31+$0xFFFFFFB0];
	(erf) = vrcp.f32 v11;
	v11 =	vpop (erf)  }
0x48: {  	v10 =	vld [tilespmem:s31+$0xFFFFFFC0];
	v0 =	vadd.f32 v7, v0;
	(erf) = vrcp.f32 v6;
	v6 =	vadd.f32 $1.000000000e+00, v11  }
0x49: {  	v4 =	vld [tilespmem:s31+$0x20];
	v7 =	vadd.f32 $1.000000000e+00, v58  }
0x4a: {  	v8 =	vld [tilespmem:s31+$0x0];
	v11 =	vpop (erf);
	v0 =	vsub.f32 $0.0e+00, v0  }
0x4b: {  	v3 =	vld [tilespmem:s31+$0x30];
	(erf) = vrcp.f32 v7;
	v7 =	vadd.f32 $1.000000000e+00, v11  }
0x4c: {  	v2 =	vld.idx.msk [tilespmem:v2+s3+$0x0], $0xffff;
	(erf) = vrcp.f32 v6;
	v0 =	vmul.f32 $1.442695020e+00, v0;
	v6 =	vpop (erf)  }
0x4d: {  	v5 =	vld.idx.msk [tilespmem:v5+s3+$0x0], $0xffff;
	(erf) = vrcp.f32 v7;
	v6 =	vadd.f32 $1.000000000e+00, v6  }
0x4e: {  	v7 =	vld.idx.msk [tilespmem:v9+s9+$0x0], $0xffff;
	(erf) = vpow2.f32 v0  }
0x4f: {  	(erf) = vrcp.f32 v6;
	v6 =	vld.idx.msk [tilespmem:v1+s3+$0x0], $0xffff;
	v1 =	vpop (erf)  }
0x50: {  	v0 =	vld.idx.msk [tilespmem:v10+s3+$0x0], $0xffff;
	v10 =	vadd.f32 $1.000000000e+00, v1  }
0x51: {  	v4 =	vld.idx.msk [tilespmem:v4+s9+$0x0], $0xffff  }
0x52: {  	v59 =	vld [tilespmem:s31+$0x60];
	(erf) = vrcp.f32 v10  }
0x53: {  	v11 =	vld.idx.msk [tilespmem:v8+s9+$0x0], $0xffff  }
0x54: {  	s14 =	simm.s32 $0x9F40;
	v8 =	vld.idx.msk [tilespmem:v3+s9+$0x0], $0xffff;
	v3 =	vpop (erf);
	v7 =	vadd.f32 v7, v2  }
0x55: {  	[tilespmem:s14+$0x30] =	vst v56;
	v9 =	vld.idx.msk [tilespmem:v18+s3+$0x0], $0xffff;
	v60 =	vpop (erf)  }
0x56: {  	v4 =	vadd.f32 v4, v5;
	v2 =	vld.idx.msk [tilespmem:v55+s9+$0x0], $0xffff;
	[tilespmem:s14+$0xFFFFFFD0] =	vst v3;
	v3 =	vpop (erf);
	v5 =	vsub.f32 $0.0e+00, v7  }
0x57: {  	v1 =	vld.idx.msk [tilespmem:v57+s3+$0x0], $0xffff;
	[tilespmem:s14+$0xFFFFFFE0] =	vst v60;
	v61 =	vpop (erf)  }
0x58: {  	v7 =	vsub.f32 $0.0e+00, v4;
	v4 =	vld.idx.msk [tilespmem:v17+s3+$0x0], $0xffff;
	[tilespmem:s14+$0xFFFFFFF0] =	vst v3;
	v62 =	vpop (erf)  }
0x59: {  	v3 =	vld.idx.msk [tilespmem:v16+s9+$0x0], $0xffff;
	[tilespmem:s14+$0xFFFFFFC0] =	vst v61;
	v8 =	vadd.f32 v8, v6;
	v10 =	vmul.f32 $1.442695020e+00, v5;
	v63 =	vpop (erf)  }
0x5a: {  	s15 =	simm.s32 $0x8;
	s16 =	simm.s32 $0x5280;
	v9 =	vadd.f32 v11, v9;
	v6 =	vld.idx.msk [tilespmem:v59+s9+$0x0], $0xffff;
	[tilespmem:s14+$0x0] =	vst v62;
	v11 =	vadd.f32 $1.000000000e+00, v63;
	v5 =	vpop (erf)  }
.LBB2_2:
0x5b: {  	v12 =	vld [tilespmem:s16+$0xFFFFFFF0];
	v7 =	vmul.f32 $1.442695020e+00, v7;
	v8 =	vsub.f32 $0.0e+00, v8;
	(erf) = vpow2.f32 v10;
	[tilespmem:s14+$0x10] =	vst v5;
	v5 =	vpop (erf)  }
0x5c: {  	s15 =	sadd.s32 $0x8, s15;
	v0 =	vadd.f32 v2, v0;
	v10 =	vld [tilespmem:s16+$0x70];
	v9 =	vsub.f32 $0.0e+00, v9;
	(erf) = vrcp.f32 v11;
	[tilespmem:s14+$0x20] =	vst v5  }
0x5d: {  	p0 =	slt.u32 s15, $0x270;
	v2 =	vld [tilespmem:s16+$0x0];
	v5 =	vmul.f32 $1.442695020e+00, v8;
	(erf) = vpow2.f32 v7  }
0x5e: {  	v0 =	vsub.f32 $0.0e+00, v0;
	v1 =	vadd.f32 v3, v1;
	v7 =	vld [tilespmem:s16+$0xFFFFFF90];
	v8 =	vmul.f32 $1.442695020e+00, v9  }
0x5f: {  	v3 =	vld [tilespmem:s16+$0x10];
	(erf) = vpow2.f32 v5  }
0x60: {  	v0 =	vmul.f32 $1.442695020e+00, v0;
	v1 =	vsub.f32 $0.0e+00, v1;
	v4 =	vadd.f32 v6, v4;
	v5 =	vld [tilespmem:s16+$0xFFFFFFA0]  }
0x61: {  	v6 =	vld [tilespmem:s16+$0x20];
	(erf) = vpow2.f32 v8  }
0x62: {  	v1 =	vmul.f32 $1.442695020e+00, v1;
	v4 =	vsub.f32 $0.0e+00, v4;
	v8 =	vld [tilespmem:s16+$0xFFFFFFB0];
	(erf) = vpow2.f32 v0  }
0x63: {  	v0 =	vld.idx.msk [tilespmem:v12+s3+$0x0], $0xffff  }
0x64: {  	v4 =	vmul.f32 $1.442695020e+00, v4;
	v9 =	vld.idx.msk [tilespmem:v10+s9+$0x0], $0xffff;
	v10 =	vpop (erf);
	(erf) = vpow2.f32 v1  }
0x65: {  	s14 =	sadd.s32 $0x80, s14;
	v1 =	vld [tilespmem:s16+$0x30];
	v10 =	vadd.f32 $1.000000000e+00, v10;
	v11 =	vpop (erf)  }
0x66: {  	v12 =	vld [tilespmem:s16+$0xFFFFFFC0];
	[tilespmem:s14+$0x30] =	vst v11;
	v11 =	vpop (erf);
	(erf) = vpow2.f32 v4  }
0x67: {  	v4 =	vld [tilespmem:s16+$0x40];
	v11 =	vadd.f32 $1.000000000e+00, v11;
	(erf) = vrcp.f32 v10  }
0x68: {  	v10 =	vld [tilespmem:s16+$0xFFFFFFD0];
	v13 =	vpop (erf)  }
0x69: {  	v14 =	vld [tilespmem:s16+$0x50];
	v16 =	vadd.f32 $1.000000000e+00, v13;
	(erf) = vrcp.f32 v11  }
0x6a: {  	v0 =	vadd.f32 v9, v0;
	v11 =	vld [tilespmem:s16+$0xFFFFFFE0];
	v9 =	vpop (erf)  }
0x6b: {  	v15 =	vld [tilespmem:s16+$0x60];
	v9 =	vadd.f32 $1.000000000e+00, v9;
	(erf) = vrcp.f32 v16;
	v13 =	vpop (erf)  }
0x6c: {  	v0 =	vsub.f32 $0.0e+00, v0;
	v16 =	vld [tilespmem:s16+$0xFFFFFF80];
	v13 =	vadd.f32 $1.000000000e+00, v13  }
0x6d: {  	v17 =	vld.idx.msk [tilespmem:v2+s9+$0x0], $0xffff;
	(erf) = vrcp.f32 v9;
	v2 =	vpop (erf)  }
0x6e: {  	v0 =	vmul.f32 $1.442695020e+00, v0;
	v7 =	vld.idx.msk [tilespmem:v7+s3+$0x0], $0xffff;
	v2 =	vadd.f32 $1.000000000e+00, v2;
	(erf) = vrcp.f32 v13  }
0x6f: {  	v3 =	vld.idx.msk [tilespmem:v3+s9+$0x0], $0xffff;
	v9 =	vpop (erf)  }
0x70: {  	v5 =	vld.idx.msk [tilespmem:v5+s3+$0x0], $0xffff;
	(erf) = vpow2.f32 v0;
	v0 =	vadd.f32 $1.000000000e+00, v9;
	v9 =	vpop (erf)  }
0x71: {  	v6 =	vld.idx.msk [tilespmem:v6+s9+$0x0], $0xffff;
	[tilespmem:s14+$0xFFFFFFD0] =	vst v9;
	(erf) = vrcp.f32 v2  }
0x72: {  	v8 =	vld.idx.msk [tilespmem:v8+s3+$0x0], $0xffff;
	v2 =	vpop (erf);
	(erf) = vrcp.f32 v0  }
0x73: {  	v9 =	vld.idx.msk [tilespmem:v1+s9+$0x0], $0xffff;
	[tilespmem:s14+$0xFFFFFFE0] =	vst v2  }
0x74: {  	v13 =	vld.idx.msk [tilespmem:v16+s3+$0x0], $0xffff;
	v1 =	vpop (erf)  }
0x75: {  	v3 =	vadd.f32 v3, v7;
	v0 =	vld.idx.msk [tilespmem:v12+s3+$0x0], $0xffff;
	[tilespmem:s14+$0xFFFFFFF0] =	vst v1  }
.Ltmp0:
0x76: {  	v2 =	vld.idx.msk [tilespmem:v4+s9+$0x0], $0xffff;
	v4 =	vpop (erf);
	(pc) =	sbr.rel @p0 .LBB2_2-.Ltmp0, $4  }
0x77: {  	v7 =	vsub.f32 $0.0e+00, v3;
	v6 =	vadd.f32 v6, v5;
	v1 =	vld.idx.msk [tilespmem:v10+s3+$0x0], $0xffff;
	[tilespmem:s14+$0xFFFFFFC0] =	vst v4;
	v4 =	vpop (erf)  }
0x78: {  	v3 =	vld.idx.msk [tilespmem:v14+s9+$0x0], $0xffff;
	[tilespmem:s14+$0x0] =	vst v4  }
0x79: {  	v10 =	vmul.f32 $1.442695020e+00, v7;
	v7 =	vsub.f32 $0.0e+00, v6;
	v8 =	vadd.f32 v9, v8;
	v4 =	vld.idx.msk [tilespmem:v11+s3+$0x0], $0xffff;
	v5 =	vpop (erf)  }
0x7a: {  	s16 =	sadd.s32 $0x100, s16;
	v9 =	vadd.f32 v17, v13;
	v6 =	vld.idx.msk [tilespmem:v15+s9+$0x0], $0xffff;
	v11 =	vadd.f32 $1.000000000e+00, v5;
	v5 =	vpop (erf)  }
0x7b: {  	_ = 	snop  }
0x7c: {  	v7 =	vmul.f32 $1.442695020e+00, v7  }
0x7d: {  	v8 =	vsub.f32 $0.0e+00, v8;
	(erf) = vpow2.f32 v10;
	v0 =	vadd.f32 v2, v0  }
0x7e: {  	v39 =	vsub.f32 $0.0e+00, v9;
	(erf) = vrcp.f32 v11;
	v1 =	vadd.f32 v3, v1  }
0x7f: {  	v40 =	vmul.f32 $1.442695020e+00, v8;
	v0 =	vsub.f32 $0.0e+00, v0;
	v4 =	vadd.f32 v6, v4  }
0x80: {  	(erf) = vpow2.f32 v7;
	v2 =	vmul.f32 $1.442695020e+00, v39;
	v1 =	vsub.f32 $0.0e+00, v1  }
0x81: {  	(erf) = vpow2.f32 v40;
	v0 =	vmul.f32 $1.442695020e+00, v0;
	v41 =	vsub.f32 $0.0e+00, v4  }
0x82: {  	(erf) = vpow2.f32 v2;
	v1 =	vmul.f32 $1.442695020e+00, v1  }
0x83: {  	(erf) = vpow2.f32 v0;
	v42 =	vmul.f32 $1.442695020e+00, v41  }
0x84: {  	(erf) = vpow2.f32 v1  }
0x85: {  	(erf) = vpow2.f32 v42  }
0x86: {  	v43 =	vpop (erf)  }
0x87: {  	v44 =	vpop (erf)  }
0x88: {  	v45 =	vpop (erf)  }
0x89: {  	v1 =	vadd.f32 $1.000000000e+00, v44;
	v46 =	vpop (erf)  }
0x8a: {  	v3 =	vadd.f32 $1.000000000e+00, v46;
	v47 =	vpop (erf)  }
0x8b: {  	(erf) = vrcp.f32 v1;
	v48 =	vadd.f32 $1.000000000e+00, v47;
	v49 =	vpop (erf)  }
0x8c: {  	(erf) = vrcp.f32 v3;
	v50 =	vadd.f32 $1.000000000e+00, v49;
	v51 =	vpop (erf)  }
0x8d: {  	(erf) = vrcp.f32 v48;
	v52 =	vadd.f32 $1.000000000e+00, v51;
	v53 =	vpop (erf)  }
0x8e: {  	(erf) = vrcp.f32 v50;
	v54 =	vadd.f32 $1.000000000e+00, v53;
	v55 =	vpop (erf)  }
0x8f: {  	(erf) = vrcp.f32 v52;
	v56 =	vadd.f32 $1.000000000e+00, v55  }
0x90: {  	(erf) = vrcp.f32 v54  }
0x91: {  	(erf) = vrcp.f32 v56  }
0x92: {  	[tilespmem:s14+$0x10] =	vst v5  }
0x93: {  	s31 =	sadd.s32 $0x80, s14;
	[tilespmem:s14+$0x20] =	vst v43  }
0x94: {  	[tilespmem:s31+$0x30] =	vst v45;
	v57 =	vpop (erf)  }
0x95: {  	[tilespmem:s31+$0xFFFFFFD0] =	vst v57;
	v58 =	vpop (erf)  }
0x96: {  	[tilespmem:s31+$0xFFFFFFE0] =	vst v58;
	v59 =	vpop (erf)  }
0x97: {  	[tilespmem:s31+$0xFFFFFFF0] =	vst v59;
	v60 =	vpop (erf)  }
0x98: {  	[tilespmem:s31+$0xFFFFFFC0] =	vst v60;
	v61 =	vpop (erf)  }
0x99: {  	s13 =	sadd.s32 $0x1, s13;
	[tilespmem:s31+$0x0] =	vst v61;
	v62 =	vpop (erf)  }
0x9a: {  	p0 =	sne.s32 s13, s7;
	[tilespmem:s31+$0x10] =	vst v62;
	v63 =	vpop (erf)  }
.Ltmp1:
0x9b: {  	[tilespmem:s31+$0x20] =	vst v63;
	(pc) =	sbr.rel @p0 .LBB2_1-.Ltmp1, $4  }
0x9c: {  	[hbm4b:s6+s3] =	stream.linear.scatter [tilespmem:s11], [sflag:$0x2], $0x2780, $0x38;
	[tilespmem:$0xC680] =	vst v63  }
0x9d: {  	_ =	swait.ge [sflag:s12], $0x2780  }
0x9e: {  	[sflag:s12] =	ssyncset.done $0x0  }
0x9f: {  	[sflag:s12] =	ssyncadd.s32 $0xFFFFD880  }
0xa0: {  	_ =	sfence.sel $0x180000  }
0xa1: {  	[bflag:$0x0] =	sbarrier.arrive $0xFFFF  }
0xa2: {  	p0 =	sne.s32 s0, $0x0;
	_ =	strace $0x90000047  }
0xa3: {  	s0 =	sadd.s32 @!p0 $0x100000, s2;
	[bflag:$0x2] =	sbarrier.arrive $0xFFFF  }
0xa4: {  	[sflag:s0] =	ssyncadd.tile.s32 @!p0 $0x1;
	_ =	shalt  }
.Lfunc_end2:
_tile_overlayer_lowered:
.L_overlay_start_2:
0xa5: {  	(tag) =	ssettag $0x2  }
0xa6: {  	s0 =	rddreg [dreg:$0x0];
	s2 =	stileid.u32  }
0xa7: {  	s1 =	rddreg [dreg:$0x1];
	p0 =	sne.s32 s2, $0x0  }
0xa8: {  	s3 =	rddreg [dreg:$0x2];
	[bflag:$0x3] =	sbarrier.arrive $0xFFFF;
	s2 =	simm.s32 @!p0 $0x1C02  }
0xa9: {  	[timem:s3], [sflag:s2] =	dma.local @!p0 [hbm:s0], s1  }
0xaa: {  	s0 =	simm.s32 @!p0 $0x2  }
0xab: {  	_ =	swait.ge @!p0 [sflag:s0], s1  }
0xac: {  	s1 =	ssub.s32 @!p0 $0x0, s1;
	[sflag:s0] =	ssyncset.done @!p0 $0x0  }
0xad: {  	[sflag:s0] =	ssyncadd.s32 @!p0 s1  }
0xae: {  	[bflag:$0x3] =	sbarrier.arrive $0xFFFF  }
0xaf: {  	_ =	shalt  }

</sc_bundles>
